<compile_context>
chip_gen: v7x
topology: tpu7x:2x2x1
jax: 0.10.2.dev20260603
libtpu: 0.0.44.dev20260713+nightly
codegen_flags: <defaults>
</compile_context>

<pallas_src>
import functools

import jax
import jax.numpy as jnp
from jax import lax
from jax.experimental import pallas as pl
from jax.experimental.pallas import tpu as pltpu
from jax.experimental.pallas import tpu_sc as plsc

_N = 10000
_M = 5000
_D = 256
_R = 40
_XCHUNK = _M // _R
_NW = 32
_TPW = 4


def _unpool_body(x_hbm, h_out, vbuf, zbuf, sem_g, sem_s):
    c = lax.axis_index("c")
    s = lax.axis_index("s")
    wid = s * 2 + c

    def _chunk(t):
        kk = jnp.minimum(wid + t * _NW, _XCHUNK - 1)
        return pl.multiple_of(kk * _R, 8)

    for t in range(_TPW):
        pltpu.make_async_copy(x_hbm.at[pl.ds(_chunk(t), _R)],
                              vbuf.at[t], sem_g).start()

    def _zrow(i, carry):
        for j in range(_D // 16):
            zbuf[i, pl.ds(j * 16, 16)] = jnp.zeros((16,), jnp.float32)
        return carry

    lax.fori_loop(0, _R, _zrow, 0)

    for t in range(_TPW):
        pltpu.make_async_copy(zbuf,
                              h_out.at[pl.ds(_M + _chunk(t), _R)],
                              sem_s).start()

    for _ in range(_TPW):
        pltpu.make_async_copy(x_hbm.at[pl.ds(0, _R)],
                              vbuf.at[0], sem_g).wait()

    for t in range(_TPW):
        pltpu.make_async_copy(vbuf.at[t],
                              h_out.at[pl.ds(_chunk(t), _R)], sem_s).start()

    for _ in range(2 * _TPW):
        pltpu.make_async_copy(zbuf,
                              h_out.at[pl.ds(0, _R)], sem_s).wait()


_unpool = functools.partial(
    pl.kernel,
    out_type=jax.ShapeDtypeStruct((_N, _D), jnp.float32),
    mesh=plsc.VectorSubcoreMesh(core_axis_name="c", subcore_axis_name="s"),
    scratch_types=[
        pltpu.VMEM((_TPW, _R, _D), jnp.float32),
        pltpu.VMEM((_R, _D), jnp.float32),
        pltpu.SemaphoreType.DMA,
        pltpu.SemaphoreType.DMA,
    ],
)(_unpool_body)


def kernel(A, X, pre_h, idx):
    new_h = _unpool(X)
    return (A, new_h)

# --- scband reference (transcript-rebuilt; emitter-appended) ---
"""Pipeline reference for scband-unpool-44255343018253 (READ-ONLY COPY).

The authoritative reference and input builder live on the scoring server;
editing this copy changes nothing except your own understanding.
"""

import jax, jax.numpy as jnp
import numpy as np


def setup_inputs(seed: int = 0) -> dict:
    key = jax.random.key(seed)
    k1, k2, k3 = jax.random.split(key, 3)
    N = 10000
    M = 5000
    d = 256
    A = jax.random.uniform(k1, (N, N), dtype=jnp.float32)
    X = jax.random.normal(k2, (M, d), dtype=jnp.float32)
    pre_h = jax.random.normal(k3, (N, d), dtype=jnp.float32)
    idx = jnp.arange(M, dtype=jnp.int64) if jax.config.read('jax_enable_x64') else jnp.arange(M, dtype=jnp.int32)
    return {"A": A, "X": X, "pre_h": pre_h, "idx": idx}


def reference(A, X, pre_h, idx):
    # new_h = zeros([A.shape[0], X.shape[1]]); new_h[idx] = X  (scatter-overwrite)
    new_h = jnp.zeros((A.shape[0], X.shape[1]), dtype=X.dtype)
    new_h = new_h.at[idx].set(X)
    return (A, new_h)

if __name__ == "__main__":
    import jax
    _d = setup_inputs()
    print(jax.jit(kernel)(*tuple(_d.values())))

</pallas_src>

<mosaic_0001>
#map = affine_map<(d0, d1) -> (0, 0)>
module attributes {stable_mosaic.version = 14 : i64} {
  func.func @_unpool_body(%arg0: i32, %arg1: i32, %arg2: memref<5000x256xf32, #tpu.memory_space<hbm>>, %arg3: memref<10000x256xf32, #tpu.memory_space<hbm>>, %arg4: memref<4x40x256xf32, #tpu.memory_space<vmem>>, %arg5: memref<40x256xf32, #tpu.memory_space<vmem>>, %arg6: memref<!tpu.dma_semaphore, #tpu.memory_space<semaphore_mem>>, %arg7: memref<!tpu.dma_semaphore, #tpu.memory_space<semaphore_mem>>) attributes {dimension_semantics = [#tpu.dimension_semantics<core_parallel>, #tpu.dimension_semantics<subcore_parallel>], iteration_bounds = array<i64: 2, 16>, scalar_prefetch = 0 : i64, scratch_operands = 4 : i64, tpu.core_type = #tpu.core_type<sc_vector_subcore>, window_params = [{transform_indices = #map}, {transform_indices = #map}]} {
    %mul3A = arith.constant 2 : i32
    %mul3A_0 = arith.muli %arg1, %mul3A : i32
    %add3A = arith.addi %mul3A_0, %arg0 : i32
    %add3A_1 = arith.constant 0 : i32
    %add3A_2 = arith.addi %add3A, %add3A_1 : i32
    %min3A = arith.constant 124 : i32
    %min3A_3 = arith.minsi %add3A_2, %min3A : i32
    %mul3A_4 = arith.constant 40 : i32
    %mul3A_5 = arith.muli %min3A_3, %mul3A_4 : i32
    %multiple_of3A = tpu.assume_multiple %mul3A_5, 8 : i32
    %dma_start3A = arith.constant 0 : i32
    %dma_start3A_6 = arith.constant 0 : i32
    %dma_start3A_7 = arith.constant 0 : i32
    %dma_start3A_8 = tpu.memref_slice %arg4[%dma_start3A, %dma_start3A_6, %dma_start3A_7] : memref<4x40x256xf32, #tpu.memory_space<vmem>> -> memref<1x40x256xf32, #tpu.memory_space<vmem>>
    %dma_start3A_9 = tpu.memref_squeeze %dma_start3A_8 : memref<1x40x256xf32, #tpu.memory_space<vmem>> -> memref<40x256xf32, #tpu.memory_space<vmem>>
    %dma_start3A_10 = arith.constant 0 : i32
    %dma_start3A_11 = tpu.memref_slice %arg2[%multiple_of3A, %dma_start3A_10] : memref<5000x256xf32, #tpu.memory_space<hbm>> -> memref<40x256xf32, #tpu.memory_space<hbm>>
    %dma_start3A_12 = arith.constant 0 : i32
    %dma_start3A_13 = arith.constant 0 : i32
    %dma_start3A_14 = tpu.memref_slice %arg4[%dma_start3A, %dma_start3A_12, %dma_start3A_13] : memref<4x40x256xf32, #tpu.memory_space<vmem>> -> memref<1x40x256xf32, #tpu.memory_space<vmem>>
    %dma_start3A_15 = tpu.memref_squeeze %dma_start3A_14 : memref<1x40x256xf32, #tpu.memory_space<vmem>> -> memref<40x256xf32, #tpu.memory_space<vmem>>
    %dma_start3A_16 = arith.constant 0 : i32
    %dma_start3A_17 = tpu.memref_slice %arg2[%multiple_of3A, %dma_start3A_16] : memref<5000x256xf32, #tpu.memory_space<hbm>> -> memref<40x256xf32, #tpu.memory_space<hbm>>
    tpu.enqueue_dma source(%dma_start3A_17 : memref<40x256xf32, #tpu.memory_space<hbm>>) target(%dma_start3A_15 : memref<40x256xf32, #tpu.memory_space<vmem>>) target_semaphore(%arg6 : memref<!tpu.dma_semaphore, #tpu.memory_space<semaphore_mem>>)
    %add3A_18 = arith.constant 32 : i32
    %add3A_19 = arith.addi %add3A, %add3A_18 : i32
    %min3A_20 = arith.constant 124 : i32
    %min3A_21 = arith.minsi %add3A_19, %min3A_20 : i32
    %mul3A_22 = arith.constant 40 : i32
    %mul3A_23 = arith.muli %min3A_21, %mul3A_22 : i32
    %multiple_of3A_24 = tpu.assume_multiple %mul3A_23, 8 : i32
    %dma_start3A_25 = arith.constant 1 : i32
    %dma_start3A_26 = arith.constant 0 : i32
    %dma_start3A_27 = arith.constant 0 : i32
    %dma_start3A_28 = tpu.memref_slice %arg4[%dma_start3A_25, %dma_start3A_26, %dma_start3A_27] : memref<4x40x256xf32, #tpu.memory_space<vmem>> -> memref<1x40x256xf32, #tpu.memory_space<vmem>>
    %dma_start3A_29 = tpu.memref_squeeze %dma_start3A_28 : memref<1x40x256xf32, #tpu.memory_space<vmem>> -> memref<40x256xf32, #tpu.memory_space<vmem>>
    %dma_start3A_30 = arith.constant 0 : i32
    %dma_start3A_31 = tpu.memref_slice %arg2[%multiple_of3A_24, %dma_start3A_30] : memref<5000x256xf32, #tpu.memory_space<hbm>> -> memref<40x256xf32, #tpu.memory_space<hbm>>
    %dma_start3A_32 = arith.constant 0 : i32
    %dma_start3A_33 = arith.constant 0 : i32
    %dma_start3A_34 = tpu.memref_slice %arg4[%dma_start3A_25, %dma_start3A_32, %dma_start3A_33] : memref<4x40x256xf32, #tpu.memory_space<vmem>> -> memref<1x40x256xf32, #tpu.memory_space<vmem>>
    %dma_start3A_35 = tpu.memref_squeeze %dma_start3A_34 : memref<1x40x256xf32, #tpu.memory_space<vmem>> -> memref<40x256xf32, #tpu.memory_space<vmem>>
    %dma_start3A_36 = arith.constant 0 : i32
    %dma_start3A_37 = tpu.memref_slice %arg2[%multiple_of3A_24, %dma_start3A_36] : memref<5000x256xf32, #tpu.memory_space<hbm>> -> memref<40x256xf32, #tpu.memory_space<hbm>>
    tpu.enqueue_dma source(%dma_start3A_37 : memref<40x256xf32, #tpu.memory_space<hbm>>) target(%dma_start3A_35 : memref<40x256xf32, #tpu.memory_space<vmem>>) target_semaphore(%arg6 : memref<!tpu.dma_semaphore, #tpu.memory_space<semaphore_mem>>)
    %add3A_38 = arith.constant 64 : i32
    %add3A_39 = arith.addi %add3A, %add3A_38 : i32
    %min3A_40 = arith.constant 124 : i32
    %min3A_41 = arith.minsi %add3A_39, %min3A_40 : i32
    %mul3A_42 = arith.constant 40 : i32
    %mul3A_43 = arith.muli %min3A_41, %mul3A_42 : i32
    %multiple_of3A_44 = tpu.assume_multiple %mul3A_43, 8 : i32
    %dma_start3A_45 = arith.constant 2 : i32
    %dma_start3A_46 = arith.constant 0 : i32
    %dma_start3A_47 = arith.constant 0 : i32
    %dma_start3A_48 = tpu.memref_slice %arg4[%dma_start3A_45, %dma_start3A_46, %dma_start3A_47] : memref<4x40x256xf32, #tpu.memory_space<vmem>> -> memref<1x40x256xf32, #tpu.memory_space<vmem>>
    %dma_start3A_49 = tpu.memref_squeeze %dma_start3A_48 : memref<1x40x256xf32, #tpu.memory_space<vmem>> -> memref<40x256xf32, #tpu.memory_space<vmem>>
    %dma_start3A_50 = arith.constant 0 : i32
    %dma_start3A_51 = tpu.memref_slice %arg2[%multiple_of3A_44, %dma_start3A_50] : memref<5000x256xf32, #tpu.memory_space<hbm>> -> memref<40x256xf32, #tpu.memory_space<hbm>>
    %dma_start3A_52 = arith.constant 0 : i32
    %dma_start3A_53 = arith.constant 0 : i32
    %dma_start3A_54 = tpu.memref_slice %arg4[%dma_start3A_45, %dma_start3A_52, %dma_start3A_53] : memref<4x40x256xf32, #tpu.memory_space<vmem>> -> memref<1x40x256xf32, #tpu.memory_space<vmem>>
    %dma_start3A_55 = tpu.memref_squeeze %dma_start3A_54 : memref<1x40x256xf32, #tpu.memory_space<vmem>> -> memref<40x256xf32, #tpu.memory_space<vmem>>
    %dma_start3A_56 = arith.constant 0 : i32
    %dma_start3A_57 = tpu.memref_slice %arg2[%multiple_of3A_44, %dma_start3A_56] : memref<5000x256xf32, #tpu.memory_space<hbm>> -> memref<40x256xf32, #tpu.memory_space<hbm>>
    tpu.enqueue_dma source(%dma_start3A_57 : memref<40x256xf32, #tpu.memory_space<hbm>>) target(%dma_start3A_55 : memref<40x256xf32, #tpu.memory_space<vmem>>) target_semaphore(%arg6 : memref<!tpu.dma_semaphore, #tpu.memory_space<semaphore_mem>>)
    %add3A_58 = arith.constant 96 : i32
    %add3A_59 = arith.addi %add3A, %add3A_58 : i32
    %min3A_60 = arith.constant 124 : i32
    %min3A_61 = arith.minsi %add3A_59, %min3A_60 : i32
    %mul3A_62 = arith.constant 40 : i32
    %mul3A_63 = arith.muli %min3A_61, %mul3A_62 : i32
    %multiple_of3A_64 = tpu.assume_multiple %mul3A_63, 8 : i32
    %dma_start3A_65 = arith.constant 3 : i32
    %dma_start3A_66 = arith.constant 0 : i32
    %dma_start3A_67 = arith.constant 0 : i32
    %dma_start3A_68 = tpu.memref_slice %arg4[%dma_start3A_65, %dma_start3A_66, %dma_start3A_67] : memref<4x40x256xf32, #tpu.memory_space<vmem>> -> memref<1x40x256xf32, #tpu.memory_space<vmem>>
    %dma_start3A_69 = tpu.memref_squeeze %dma_start3A_68 : memref<1x40x256xf32, #tpu.memory_space<vmem>> -> memref<40x256xf32, #tpu.memory_space<vmem>>
    %dma_start3A_70 = arith.constant 0 : i32
    %dma_start3A_71 = tpu.memref_slice %arg2[%multiple_of3A_64, %dma_start3A_70] : memref<5000x256xf32, #tpu.memory_space<hbm>> -> memref<40x256xf32, #tpu.memory_space<hbm>>
    %dma_start3A_72 = arith.constant 0 : i32
    %dma_start3A_73 = arith.constant 0 : i32
    %dma_start3A_74 = tpu.memref_slice %arg4[%dma_start3A_65, %dma_start3A_72, %dma_start3A_73] : memref<4x40x256xf32, #tpu.memory_space<vmem>> -> memref<1x40x256xf32, #tpu.memory_space<vmem>>
    %dma_start3A_75 = tpu.memref_squeeze %dma_start3A_74 : memref<1x40x256xf32, #tpu.memory_space<vmem>> -> memref<40x256xf32, #tpu.memory_space<vmem>>
    %dma_start3A_76 = arith.constant 0 : i32
    %dma_start3A_77 = tpu.memref_slice %arg2[%multiple_of3A_64, %dma_start3A_76] : memref<5000x256xf32, #tpu.memory_space<hbm>> -> memref<40x256xf32, #tpu.memory_space<hbm>>
    tpu.enqueue_dma source(%dma_start3A_77 : memref<40x256xf32, #tpu.memory_space<hbm>>) target(%dma_start3A_75 : memref<40x256xf32, #tpu.memory_space<vmem>>) target_semaphore(%arg6 : memref<!tpu.dma_semaphore, #tpu.memory_space<semaphore_mem>>)
    %scan3A = arith.constant 0 : i32
    %scan3A_78 = arith.constant 0 : i32
    %scan3A_79 = arith.constant 40 : i32
    %scan3A_80 = arith.addi %scan3A_78, %scan3A_79 : i32
    %scan3A_81 = arith.constant 1 : i32
    scf.for %scan3A_322 = %scan3A_78 to %scan3A_80 step %scan3A_81  : i32 {
      %broadcast_in_dim3A = arith.constant 0.000000e+00 : f32
      %broadcast_in_dim3A_323 = vector.broadcast %broadcast_in_dim3A : f32 to vector<16xf32>
      %swap3A = arith.index_cast %scan3A_322 : i32 to index
      %swap3A_324 = arith.constant 0 : index
      %swap3A_325 = tpu.vector_load %arg5[%swap3A, %swap3A_324] {strides = array<i32>} : memref<40x256xf32, #tpu.memory_space<vmem>>, vector<1x16xf32>,
      %swap3A_326 = vector.shape_cast %swap3A_325 : vector<1x16xf32> to vector<16xf32>
      %swap3A_327 = vector.shape_cast %broadcast_in_dim3A_323 : vector<16xf32> to vector<1x16xf32>
      tpu.vector_store %arg5[%swap3A, %swap3A_324], %swap3A_327 {strides = array<i32>} : memref<40x256xf32, #tpu.memory_space<vmem>>, vector<1x16xf32>,
      %broadcast_in_dim3A_328 = arith.constant 0.000000e+00 : f32
      %broadcast_in_dim3A_329 = vector.broadcast %broadcast_in_dim3A_328 : f32 to vector<16xf32>
      %swap3A_330 = arith.index_cast %scan3A_322 : i32 to index
      %swap3A_331 = arith.constant 16 : index
      %swap3A_332 = tpu.vector_load %arg5[%swap3A_330, %swap3A_331] {strides = array<i32>} : memref<40x256xf32, #tpu.memory_space<vmem>>, vector<1x16xf32>,
      %swap3A_333 = vector.shape_cast %swap3A_332 : vector<1x16xf32> to vector<16xf32>
      %swap3A_334 = vector.shape_cast %broadcast_in_dim3A_329 : vector<16xf32> to vector<1x16xf32>
      tpu.vector_store %arg5[%swap3A_330, %swap3A_331], %swap3A_334 {strides = array<i32>} : memref<40x256xf32, #tpu.memory_space<vmem>>, vector<1x16xf32>,
      %broadcast_in_dim3A_335 = arith.constant 0.000000e+00 : f32
      %broadcast_in_dim3A_336 = vector.broadcast %broadcast_in_dim3A_335 : f32 to vector<16xf32>
      %swap3A_337 = arith.index_cast %scan3A_322 : i32 to index
      %swap3A_338 = arith.constant 32 : index
      %swap3A_339 = tpu.vector_load %arg5[%swap3A_337, %swap3A_338] {strides = array<i32>} : memref<40x256xf32, #tpu.memory_space<vmem>>, vector<1x16xf32>,
      %swap3A_340 = vector.shape_cast %swap3A_339 : vector<1x16xf32> to vector<16xf32>
      %swap3A_341 = vector.shape_cast %broadcast_in_dim3A_336 : vector<16xf32> to vector<1x16xf32>
      tpu.vector_store %arg5[%swap3A_337, %swap3A_338], %swap3A_341 {strides = array<i32>} : memref<40x256xf32, #tpu.memory_space<vmem>>, vector<1x16xf32>,
      %broadcast_in_dim3A_342 = arith.constant 0.000000e+00 : f32
      %broadcast_in_dim3A_343 = vector.broadcast %broadcast_in_dim3A_342 : f32 to vector<16xf32>
      %swap3A_344 = arith.index_cast %scan3A_322 : i32 to index
      %swap3A_345 = arith.constant 48 : index
      %swap3A_346 = tpu.vector_load %arg5[%swap3A_344, %swap3A_345] {strides = array<i32>} : memref<40x256xf32, #tpu.memory_space<vmem>>, vector<1x16xf32>,
      %swap3A_347 = vector.shape_cast %swap3A_346 : vector<1x16xf32> to vector<16xf32>
      %swap3A_348 = vector.shape_cast %broadcast_in_dim3A_343 : vector<16xf32> to vector<1x16xf32>
      tpu.vector_store %arg5[%swap3A_344, %swap3A_345], %swap3A_348 {strides = array<i32>} : memref<40x256xf32, #tpu.memory_space<vmem>>, vector<1x16xf32>,
      %broadcast_in_dim3A_349 = arith.constant 0.000000e+00 : f32
      %broadcast_in_dim3A_350 = vector.broadcast %broadcast_in_dim3A_349 : f32 to vector<16xf32>
      %swap3A_351 = arith.index_cast %scan3A_322 : i32 to index
      %swap3A_352 = arith.constant 64 : index
      %swap3A_353 = tpu.vector_load %arg5[%swap3A_351, %swap3A_352] {strides = array<i32>} : memref<40x256xf32, #tpu.memory_space<vmem>>, vector<1x16xf32>,
      %swap3A_354 = vector.shape_cast %swap3A_353 : vector<1x16xf32> to vector<16xf32>
      %swap3A_355 = vector.shape_cast %broadcast_in_dim3A_350 : vector<16xf32> to vector<1x16xf32>
      tpu.vector_store %arg5[%swap3A_351, %swap3A_352], %swap3A_355 {strides = array<i32>} : memref<40x256xf32, #tpu.memory_space<vmem>>, vector<1x16xf32>,
      %broadcast_in_dim3A_356 = arith.constant 0.000000e+00 : f32
      %broadcast_in_dim3A_357 = vector.broadcast %broadcast_in_dim3A_356 : f32 to vector<16xf32>
      %swap3A_358 = arith.index_cast %scan3A_322 : i32 to index
      %swap3A_359 = arith.constant 80 : index
      %swap3A_360 = tpu.vector_load %arg5[%swap3A_358, %swap3A_359] {strides = array<i32>} : memref<40x256xf32, #tpu.memory_space<vmem>>, vector<1x16xf32>,
      %swap3A_361 = vector.shape_cast %swap3A_360 : vector<1x16xf32> to vector<16xf32>
      %swap3A_362 = vector.shape_cast %broadcast_in_dim3A_357 : vector<16xf32> to vector<1x16xf32>
      tpu.vector_store %arg5[%swap3A_358, %swap3A_359], %swap3A_362 {strides = array<i32>} : memref<40x256xf32, #tpu.memory_space<vmem>>, vector<1x16xf32>,
      %broadcast_in_dim3A_363 = arith.constant 0.000000e+00 : f32
      %broadcast_in_dim3A_364 = vector.broadcast %broadcast_in_dim3A_363 : f32 to vector<16xf32>
      %swap3A_365 = arith.index_cast %scan3A_322 : i32 to index
      %swap3A_366 = arith.constant 96 : index
      %swap3A_367 = tpu.vector_load %arg5[%swap3A_365, %swap3A_366] {strides = array<i32>} : memref<40x256xf32, #tpu.memory_space<vmem>>, vector<1x16xf32>,
      %swap3A_368 = vector.shape_cast %swap3A_367 : vector<1x16xf32> to vector<16xf32>
      %swap3A_369 = vector.shape_cast %broadcast_in_dim3A_364 : vector<16xf32> to vector<1x16xf32>
      tpu.vector_store %arg5[%swap3A_365, %swap3A_366], %swap3A_369 {strides = array<i32>} : memref<40x256xf32, #tpu.memory_space<vmem>>, vector<1x16xf32>,
      %broadcast_in_dim3A_370 = arith.constant 0.000000e+00 : f32
      %broadcast_in_dim3A_371 = vector.broadcast %broadcast_in_dim3A_370 : f32 to vector<16xf32>
      %swap3A_372 = arith.index_cast %scan3A_322 : i32 to index
      %swap3A_373 = arith.constant 112 : index
      %swap3A_374 = tpu.vector_load %arg5[%swap3A_372, %swap3A_373] {strides = array<i32>} : memref<40x256xf32, #tpu.memory_space<vmem>>, vector<1x16xf32>,
      %swap3A_375 = vector.shape_cast %swap3A_374 : vector<1x16xf32> to vector<16xf32>
      %swap3A_376 = vector.shape_cast %broadcast_in_dim3A_371 : vector<16xf32> to vector<1x16xf32>
      tpu.vector_store %arg5[%swap3A_372, %swap3A_373], %swap3A_376 {strides = array<i32>} : memref<40x256xf32, #tpu.memory_space<vmem>>, vector<1x16xf32>,
      %broadcast_in_dim3A_377 = arith.constant 0.000000e+00 : f32
      %broadcast_in_dim3A_378 = vector.broadcast %broadcast_in_dim3A_377 : f32 to vector<16xf32>
      %swap3A_379 = arith.index_cast %scan3A_322 : i32 to index
      %swap3A_380 = arith.constant 128 : index
      %swap3A_381 = tpu.vector_load %arg5[%swap3A_379, %swap3A_380] {strides = array<i32>} : memref<40x256xf32, #tpu.memory_space<vmem>>, vector<1x16xf32>,
      %swap3A_382 = vector.shape_cast %swap3A_381 : vector<1x16xf32> to vector<16xf32>
      %swap3A_383 = vector.shape_cast %broadcast_in_dim3A_378 : vector<16xf32> to vector<1x16xf32>
      tpu.vector_store %arg5[%swap3A_379, %swap3A_380], %swap3A_383 {strides = array<i32>} : memref<40x256xf32, #tpu.memory_space<vmem>>, vector<1x16xf32>,
      %broadcast_in_dim3A_384 = arith.constant 0.000000e+00 : f32
      %broadcast_in_dim3A_385 = vector.broadcast %broadcast_in_dim3A_384 : f32 to vector<16xf32>
      %swap3A_386 = arith.index_cast %scan3A_322 : i32 to index
      %swap3A_387 = arith.constant 144 : index
      %swap3A_388 = tpu.vector_load %arg5[%swap3A_386, %swap3A_387] {strides = array<i32>} : memref<40x256xf32, #tpu.memory_space<vmem>>, vector<1x16xf32>,
      %swap3A_389 = vector.shape_cast %swap3A_388 : vector<1x16xf32> to vector<16xf32>
      %swap3A_390 = vector.shape_cast %broadcast_in_dim3A_385 : vector<16xf32> to vector<1x16xf32>
      tpu.vector_store %arg5[%swap3A_386, %swap3A_387], %swap3A_390 {strides = array<i32>} : memref<40x256xf32, #tpu.memory_space<vmem>>, vector<1x16xf32>,
      %broadcast_in_dim3A_391 = arith.constant 0.000000e+00 : f32
      %broadcast_in_dim3A_392 = vector.broadcast %broadcast_in_dim3A_391 : f32 to vector<16xf32>
      %swap3A_393 = arith.index_cast %scan3A_322 : i32 to index
      %swap3A_394 = arith.constant 160 : index
      %swap3A_395 = tpu.vector_load %arg5[%swap3A_393, %swap3A_394] {strides = array<i32>} : memref<40x256xf32, #tpu.memory_space<vmem>>, vector<1x16xf32>,
      %swap3A_396 = vector.shape_cast %swap3A_395 : vector<1x16xf32> to vector<16xf32>
      %swap3A_397 = vector.shape_cast %broadcast_in_dim3A_392 : vector<16xf32> to vector<1x16xf32>
      tpu.vector_store %arg5[%swap3A_393, %swap3A_394], %swap3A_397 {strides = array<i32>} : memref<40x256xf32, #tpu.memory_space<vmem>>, vector<1x16xf32>,
      %broadcast_in_dim3A_398 = arith.constant 0.000000e+00 : f32
      %broadcast_in_dim3A_399 = vector.broadcast %broadcast_in_dim3A_398 : f32 to vector<16xf32>
      %swap3A_400 = arith.index_cast %scan3A_322 : i32 to index
      %swap3A_401 = arith.constant 176 : index
      %swap3A_402 = tpu.vector_load %arg5[%swap3A_400, %swap3A_401] {strides = array<i32>} : memref<40x256xf32, #tpu.memory_space<vmem>>, vector<1x16xf32>,
      %swap3A_403 = vector.shape_cast %swap3A_402 : vector<1x16xf32> to vector<16xf32>
      %swap3A_404 = vector.shape_cast %broadcast_in_dim3A_399 : vector<16xf32> to vector<1x16xf32>
      tpu.vector_store %arg5[%swap3A_400, %swap3A_401], %swap3A_404 {strides = array<i32>} : memref<40x256xf32, #tpu.memory_space<vmem>>, vector<1x16xf32>,
      %broadcast_in_dim3A_405 = arith.constant 0.000000e+00 : f32
      %broadcast_in_dim3A_406 = vector.broadcast %broadcast_in_dim3A_405 : f32 to vector<16xf32>
      %swap3A_407 = arith.index_cast %scan3A_322 : i32 to index
      %swap3A_408 = arith.constant 192 : index
      %swap3A_409 = tpu.vector_load %arg5[%swap3A_407, %swap3A_408] {strides = array<i32>} : memref<40x256xf32, #tpu.memory_space<vmem>>, vector<1x16xf32>,
      %swap3A_410 = vector.shape_cast %swap3A_409 : vector<1x16xf32> to vector<16xf32>
      %swap3A_411 = vector.shape_cast %broadcast_in_dim3A_406 : vector<16xf32> to vector<1x16xf32>
      tpu.vector_store %arg5[%swap3A_407, %swap3A_408], %swap3A_411 {strides = array<i32>} : memref<40x256xf32, #tpu.memory_space<vmem>>, vector<1x16xf32>,
      %broadcast_in_dim3A_412 = arith.constant 0.000000e+00 : f32
      %broadcast_in_dim3A_413 = vector.broadcast %broadcast_in_dim3A_412 : f32 to vector<16xf32>
      %swap3A_414 = arith.index_cast %scan3A_322 : i32 to index
      %swap3A_415 = arith.constant 208 : index
      %swap3A_416 = tpu.vector_load %arg5[%swap3A_414, %swap3A_415] {strides = array<i32>} : memref<40x256xf32, #tpu.memory_space<vmem>>, vector<1x16xf32>,
      %swap3A_417 = vector.shape_cast %swap3A_416 : vector<1x16xf32> to vector<16xf32>
      %swap3A_418 = vector.shape_cast %broadcast_in_dim3A_413 : vector<16xf32> to vector<1x16xf32>
      tpu.vector_store %arg5[%swap3A_414, %swap3A_415], %swap3A_418 {strides = array<i32>} : memref<40x256xf32, #tpu.memory_space<vmem>>, vector<1x16xf32>,
      %broadcast_in_dim3A_419 = arith.constant 0.000000e+00 : f32
      %broadcast_in_dim3A_420 = vector.broadcast %broadcast_in_dim3A_419 : f32 to vector<16xf32>
      %swap3A_421 = arith.index_cast %scan3A_322 : i32 to index
      %swap3A_422 = arith.constant 224 : index
      %swap3A_423 = tpu.vector_load %arg5[%swap3A_421, %swap3A_422] {strides = array<i32>} : memref<40x256xf32, #tpu.memory_space<vmem>>, vector<1x16xf32>,
      %swap3A_424 = vector.shape_cast %swap3A_423 : vector<1x16xf32> to vector<16xf32>
      %swap3A_425 = vector.shape_cast %broadcast_in_dim3A_420 : vector<16xf32> to vector<1x16xf32>
      tpu.vector_store %arg5[%swap3A_421, %swap3A_422], %swap3A_425 {strides = array<i32>} : memref<40x256xf32, #tpu.memory_space<vmem>>, vector<1x16xf32>,
      %broadcast_in_dim3A_426 = arith.constant 0.000000e+00 : f32
      %broadcast_in_dim3A_427 = vector.broadcast %broadcast_in_dim3A_426 : f32 to vector<16xf32>
      %swap3A_428 = arith.index_cast %scan3A_322 : i32 to index
      %swap3A_429 = arith.constant 240 : index
      %swap3A_430 = tpu.vector_load %arg5[%swap3A_428, %swap3A_429] {strides = array<i32>} : memref<40x256xf32, #tpu.memory_space<vmem>>, vector<1x16xf32>,
      %swap3A_431 = vector.shape_cast %swap3A_430 : vector<1x16xf32> to vector<16xf32>
      %swap3A_432 = vector.shape_cast %broadcast_in_dim3A_427 : vector<16xf32> to vector<1x16xf32>
      tpu.vector_store %arg5[%swap3A_428, %swap3A_429], %swap3A_432 {strides = array<i32>} : memref<40x256xf32, #tpu.memory_space<vmem>>, vector<1x16xf32>,
    }
    %scan3A_82 = arith.constant 40 : i32
    %add3A_83 = arith.constant 0 : i32
    %add3A_84 = arith.addi %add3A, %add3A_83 : i32
    %min3A_85 = arith.constant 124 : i32
    %min3A_86 = arith.minsi %add3A_84, %min3A_85 : i32
    %mul3A_87 = arith.constant 40 : i32
    %mul3A_88 = arith.muli %min3A_86, %mul3A_87 : i32
    %multiple_of3A_89 = tpu.assume_multiple %mul3A_88, 8 : i32
    %add3A_90 = arith.constant 5000 : i32
    %add3A_91 = arith.addi %add3A_90, %multiple_of3A_89 : i32
    %dma_start3A_92 = arith.constant 0 : i32
    %dma_start3A_93 = tpu.memref_slice %arg3[%add3A_91, %dma_start3A_92] : memref<10000x256xf32, #tpu.memory_space<hbm>> -> memref<40x256xf32, #tpu.memory_space<hbm>>
    %dma_start3A_94 = arith.constant 0 : i32
    %dma_start3A_95 = tpu.memref_slice %arg3[%add3A_91, %dma_start3A_94] : memref<10000x256xf32, #tpu.memory_space<hbm>> -> memref<40x256xf32, #tpu.memory_space<hbm>>
    tpu.enqueue_dma source(%arg5 : memref<40x256xf32, #tpu.memory_space<vmem>>) target(%dma_start3A_95 : memref<40x256xf32, #tpu.memory_space<hbm>>) target_semaphore(%arg7 : memref<!tpu.dma_semaphore, #tpu.memory_space<semaphore_mem>>)
    %add3A_96 = arith.constant 32 : i32
    %add3A_97 = arith.addi %add3A, %add3A_96 : i32
    %min3A_98 = arith.constant 124 : i32
    %min3A_99 = arith.minsi %add3A_97, %min3A_98 : i32
    %mul3A_100 = arith.constant 40 : i32
    %mul3A_101 = arith.muli %min3A_99, %mul3A_100 : i32
    %multiple_of3A_102 = tpu.assume_multiple %mul3A_101, 8 : i32
    %add3A_103 = arith.constant 5000 : i32
    %add3A_104 = arith.addi %add3A_103, %multiple_of3A_102 : i32
    %dma_start3A_105 = arith.constant 0 : i32
    %dma_start3A_106 = tpu.memref_slice %arg3[%add3A_104, %dma_start3A_105] : memref<10000x256xf32, #tpu.memory_space<hbm>> -> memref<40x256xf32, #tpu.memory_space<hbm>>
    %dma_start3A_107 = arith.constant 0 : i32
    %dma_start3A_108 = tpu.memref_slice %arg3[%add3A_104, %dma_start3A_107] : memref<10000x256xf32, #tpu.memory_space<hbm>> -> memref<40x256xf32, #tpu.memory_space<hbm>>
    tpu.enqueue_dma source(%arg5 : memref<40x256xf32, #tpu.memory_space<vmem>>) target(%dma_start3A_108 : memref<40x256xf32, #tpu.memory_space<hbm>>) target_semaphore(%arg7 : memref<!tpu.dma_semaphore, #tpu.memory_space<semaphore_mem>>)
    %add3A_109 = arith.constant 64 : i32
    %add3A_110 = arith.addi %add3A, %add3A_109 : i32
    %min3A_111 = arith.constant 124 : i32
    %min3A_112 = arith.minsi %add3A_110, %min3A_111 : i32
    %mul3A_113 = arith.constant 40 : i32
    %mul3A_114 = arith.muli %min3A_112, %mul3A_113 : i32
    %multiple_of3A_115 = tpu.assume_multiple %mul3A_114, 8 : i32
    %add3A_116 = arith.constant 5000 : i32
    %add3A_117 = arith.addi %add3A_116, %multiple_of3A_115 : i32
    %dma_start3A_118 = arith.constant 0 : i32
    %dma_start3A_119 = tpu.memref_slice %arg3[%add3A_117, %dma_start3A_118] : memref<10000x256xf32, #tpu.memory_space<hbm>> -> memref<40x256xf32, #tpu.memory_space<hbm>>
    %dma_start3A_120 = arith.constant 0 : i32
    %dma_start3A_121 = tpu.memref_slice %arg3[%add3A_117, %dma_start3A_120] : memref<10000x256xf32, #tpu.memory_space<hbm>> -> memref<40x256xf32, #tpu.memory_space<hbm>>
    tpu.enqueue_dma source(%arg5 : memref<40x256xf32, #tpu.memory_space<vmem>>) target(%dma_start3A_121 : memref<40x256xf32, #tpu.memory_space<hbm>>) target_semaphore(%arg7 : memref<!tpu.dma_semaphore, #tpu.memory_space<semaphore_mem>>)
    %add3A_122 = arith.constant 96 : i32
    %add3A_123 = arith.addi %add3A, %add3A_122 : i32
    %min3A_124 = arith.constant 124 : i32
    %min3A_125 = arith.minsi %add3A_123, %min3A_124 : i32
    %mul3A_126 = arith.constant 40 : i32
    %mul3A_127 = arith.muli %min3A_125, %mul3A_126 : i32
    %multiple_of3A_128 = tpu.assume_multiple %mul3A_127, 8 : i32
    %add3A_129 = arith.constant 5000 : i32
    %add3A_130 = arith.addi %add3A_129, %multiple_of3A_128 : i32
    %dma_start3A_131 = arith.constant 0 : i32
    %dma_start3A_132 = tpu.memref_slice %arg3[%add3A_130, %dma_start3A_131] : memref<10000x256xf32, #tpu.memory_space<hbm>> -> memref<40x256xf32, #tpu.memory_space<hbm>>
    %dma_start3A_133 = arith.constant 0 : i32
    %dma_start3A_134 = tpu.memref_slice %arg3[%add3A_130, %dma_start3A_133] : memref<10000x256xf32, #tpu.memory_space<hbm>> -> memref<40x256xf32, #tpu.memory_space<hbm>>
    tpu.enqueue_dma source(%arg5 : memref<40x256xf32, #tpu.memory_space<vmem>>) target(%dma_start3A_134 : memref<40x256xf32, #tpu.memory_space<hbm>>) target_semaphore(%arg7 : memref<!tpu.dma_semaphore, #tpu.memory_space<semaphore_mem>>)
    %dma_wait3A = arith.constant 0 : i32
    %dma_wait3A_135 = arith.constant 0 : i32
    %dma_wait3A_136 = arith.constant 0 : i32
    %dma_wait3A_137 = tpu.memref_slice %arg4[%dma_wait3A, %dma_wait3A_135, %dma_wait3A_136] : memref<4x40x256xf32, #tpu.memory_space<vmem>> -> memref<1x40x256xf32, #tpu.memory_space<vmem>>
    %dma_wait3A_138 = tpu.memref_squeeze %dma_wait3A_137 : memref<1x40x256xf32, #tpu.memory_space<vmem>> -> memref<40x256xf32, #tpu.memory_space<vmem>>
    %dma_wait3A_139 = arith.constant 0 : i32
    %dma_wait3A_140 = arith.constant 0 : i32
    %dma_wait3A_141 = tpu.memref_slice %arg2[%dma_wait3A_139, %dma_wait3A_140] : memref<5000x256xf32, #tpu.memory_space<hbm>> -> memref<40x256xf32, #tpu.memory_space<hbm>>
    %dma_wait3A_142 = arith.constant 0 : i32
    %dma_wait3A_143 = arith.constant 0 : i32
    %dma_wait3A_144 = tpu.memref_slice %arg4[%dma_wait3A, %dma_wait3A_142, %dma_wait3A_143] : memref<4x40x256xf32, #tpu.memory_space<vmem>> -> memref<1x40x256xf32, #tpu.memory_space<vmem>>
    %dma_wait3A_145 = tpu.memref_squeeze %dma_wait3A_144 : memref<1x40x256xf32, #tpu.memory_space<vmem>> -> memref<40x256xf32, #tpu.memory_space<vmem>>
    %dma_wait3A_146 = arith.constant 0 : i32
    %dma_wait3A_147 = arith.constant 0 : i32
    %dma_wait3A_148 = tpu.memref_slice %arg2[%dma_wait3A_146, %dma_wait3A_147] : memref<5000x256xf32, #tpu.memory_space<hbm>> -> memref<40x256xf32, #tpu.memory_space<hbm>>
    tpu.wait_dma2 semaphore(%arg6 : memref<!tpu.dma_semaphore, #tpu.memory_space<semaphore_mem>>) src(%dma_wait3A_148 : memref<40x256xf32, #tpu.memory_space<hbm>>) dst(%dma_wait3A_145 : memref<40x256xf32, #tpu.memory_space<vmem>>)
    %dma_wait3A_149 = arith.constant 0 : i32
    %dma_wait3A_150 = arith.constant 0 : i32
    %dma_wait3A_151 = arith.constant 0 : i32
    %dma_wait3A_152 = tpu.memref_slice %arg4[%dma_wait3A_149, %dma_wait3A_150, %dma_wait3A_151] : memref<4x40x256xf32, #tpu.memory_space<vmem>> -> memref<1x40x256xf32, #tpu.memory_space<vmem>>
    %dma_wait3A_153 = tpu.memref_squeeze %dma_wait3A_152 : memref<1x40x256xf32, #tpu.memory_space<vmem>> -> memref<40x256xf32, #tpu.memory_space<vmem>>
    %dma_wait3A_154 = arith.constant 0 : i32
    %dma_wait3A_155 = arith.constant 0 : i32
    %dma_wait3A_156 = tpu.memref_slice %arg2[%dma_wait3A_154, %dma_wait3A_155] : memref<5000x256xf32, #tpu.memory_space<hbm>> -> memref<40x256xf32, #tpu.memory_space<hbm>>
    %dma_wait3A_157 = arith.constant 0 : i32
    %dma_wait3A_158 = arith.constant 0 : i32
    %dma_wait3A_159 = tpu.memref_slice %arg4[%dma_wait3A_149, %dma_wait3A_157, %dma_wait3A_158] : memref<4x40x256xf32, #tpu.memory_space<vmem>> -> memref<1x40x256xf32, #tpu.memory_space<vmem>>
    %dma_wait3A_160 = tpu.memref_squeeze %dma_wait3A_159 : memref<1x40x256xf32, #tpu.memory_space<vmem>> -> memref<40x256xf32, #tpu.memory_space<vmem>>
    %dma_wait3A_161 = arith.constant 0 : i32
    %dma_wait3A_162 = arith.constant 0 : i32
    %dma_wait3A_163 = tpu.memref_slice %arg2[%dma_wait3A_161, %dma_wait3A_162] : memref<5000x256xf32, #tpu.memory_space<hbm>> -> memref<40x256xf32, #tpu.memory_space<hbm>>
    tpu.wait_dma2 semaphore(%arg6 : memref<!tpu.dma_semaphore, #tpu.memory_space<semaphore_mem>>) src(%dma_wait3A_163 : memref<40x256xf32, #tpu.memory_space<hbm>>) dst(%dma_wait3A_160 : memref<40x256xf32, #tpu.memory_space<vmem>>)
    %dma_wait3A_164 = arith.constant 0 : i32
    %dma_wait3A_165 = arith.constant 0 : i32
    %dma_wait3A_166 = arith.constant 0 : i32
    %dma_wait3A_167 = tpu.memref_slice %arg4[%dma_wait3A_164, %dma_wait3A_165, %dma_wait3A_166] : memref<4x40x256xf32, #tpu.memory_space<vmem>> -> memref<1x40x256xf32, #tpu.memory_space<vmem>>
    %dma_wait3A_168 = tpu.memref_squeeze %dma_wait3A_167 : memref<1x40x256xf32, #tpu.memory_space<vmem>> -> memref<40x256xf32, #tpu.memory_space<vmem>>
    %dma_wait3A_169 = arith.constant 0 : i32
    %dma_wait3A_170 = arith.constant 0 : i32
    %dma_wait3A_171 = tpu.memref_slice %arg2[%dma_wait3A_169, %dma_wait3A_170] : memref<5000x256xf32, #tpu.memory_space<hbm>> -> memref<40x256xf32, #tpu.memory_space<hbm>>
    %dma_wait3A_172 = arith.constant 0 : i32
    %dma_wait3A_173 = arith.constant 0 : i32
    %dma_wait3A_174 = tpu.memref_slice %arg4[%dma_wait3A_164, %dma_wait3A_172, %dma_wait3A_173] : memref<4x40x256xf32, #tpu.memory_space<vmem>> -> memref<1x40x256xf32, #tpu.memory_space<vmem>>
    %dma_wait3A_175 = tpu.memref_squeeze %dma_wait3A_174 : memref<1x40x256xf32, #tpu.memory_space<vmem>> -> memref<40x256xf32, #tpu.memory_space<vmem>>
    %dma_wait3A_176 = arith.constant 0 : i32
    %dma_wait3A_177 = arith.constant 0 : i32
    %dma_wait3A_178 = tpu.memref_slice %arg2[%dma_wait3A_176, %dma_wait3A_177] : memref<5000x256xf32, #tpu.memory_space<hbm>> -> memref<40x256xf32, #tpu.memory_space<hbm>>
    tpu.wait_dma2 semaphore(%arg6 : memref<!tpu.dma_semaphore, #tpu.memory_space<semaphore_mem>>) src(%dma_wait3A_178 : memref<40x256xf32, #tpu.memory_space<hbm>>) dst(%dma_wait3A_175 : memref<40x256xf32, #tpu.memory_space<vmem>>)
    %dma_wait3A_179 = arith.constant 0 : i32
    %dma_wait3A_180 = arith.constant 0 : i32
    %dma_wait3A_181 = arith.constant 0 : i32
    %dma_wait3A_182 = tpu.memref_slice %arg4[%dma_wait3A_179, %dma_wait3A_180, %dma_wait3A_181] : memref<4x40x256xf32, #tpu.memory_space<vmem>> -> memref<1x40x256xf32, #tpu.memory_space<vmem>>
    %dma_wait3A_183 = tpu.memref_squeeze %dma_wait3A_182 : memref<1x40x256xf32, #tpu.memory_space<vmem>> -> memref<40x256xf32, #tpu.memory_space<vmem>>
    %dma_wait3A_184 = arith.constant 0 : i32
    %dma_wait3A_185 = arith.constant 0 : i32
    %dma_wait3A_186 = tpu.memref_slice %arg2[%dma_wait3A_184, %dma_wait3A_185] : memref<5000x256xf32, #tpu.memory_space<hbm>> -> memref<40x256xf32, #tpu.memory_space<hbm>>
    %dma_wait3A_187 = arith.constant 0 : i32
    %dma_wait3A_188 = arith.constant 0 : i32
    %dma_wait3A_189 = tpu.memref_slice %arg4[%dma_wait3A_179, %dma_wait3A_187, %dma_wait3A_188] : memref<4x40x256xf32, #tpu.memory_space<vmem>> -> memref<1x40x256xf32, #tpu.memory_space<vmem>>
    %dma_wait3A_190 = tpu.memref_squeeze %dma_wait3A_189 : memref<1x40x256xf32, #tpu.memory_space<vmem>> -> memref<40x256xf32, #tpu.memory_space<vmem>>
    %dma_wait3A_191 = arith.constant 0 : i32
    %dma_wait3A_192 = arith.constant 0 : i32
    %dma_wait3A_193 = tpu.memref_slice %arg2[%dma_wait3A_191, %dma_wait3A_192] : memref<5000x256xf32, #tpu.memory_space<hbm>> -> memref<40x256xf32, #tpu.memory_space<hbm>>
    tpu.wait_dma2 semaphore(%arg6 : memref<!tpu.dma_semaphore, #tpu.memory_space<semaphore_mem>>) src(%dma_wait3A_193 : memref<40x256xf32, #tpu.memory_space<hbm>>) dst(%dma_wait3A_190 : memref<40x256xf32, #tpu.memory_space<vmem>>)
    %add3A_194 = arith.constant 0 : i32
    %add3A_195 = arith.addi %add3A, %add3A_194 : i32
    %min3A_196 = arith.constant 124 : i32
    %min3A_197 = arith.minsi %add3A_195, %min3A_196 : i32
    %mul3A_198 = arith.constant 40 : i32
    %mul3A_199 = arith.muli %min3A_197, %mul3A_198 : i32
    %multiple_of3A_200 = tpu.assume_multiple %mul3A_199, 8 : i32
    %dma_start3A_201 = arith.constant 0 : i32
    %dma_start3A_202 = arith.constant 0 : i32
    %dma_start3A_203 = arith.constant 0 : i32
    %dma_start3A_204 = tpu.memref_slice %arg4[%dma_start3A_201, %dma_start3A_202, %dma_start3A_203] : memref<4x40x256xf32, #tpu.memory_space<vmem>> -> memref<1x40x256xf32, #tpu.memory_space<vmem>>
    %dma_start3A_205 = tpu.memref_squeeze %dma_start3A_204 : memref<1x40x256xf32, #tpu.memory_space<vmem>> -> memref<40x256xf32, #tpu.memory_space<vmem>>
    %dma_start3A_206 = arith.constant 0 : i32
    %dma_start3A_207 = tpu.memref_slice %arg3[%multiple_of3A_200, %dma_start3A_206] : memref<10000x256xf32, #tpu.memory_space<hbm>> -> memref<40x256xf32, #tpu.memory_space<hbm>>
    %dma_start3A_208 = arith.constant 0 : i32
    %dma_start3A_209 = tpu.memref_slice %arg3[%multiple_of3A_200, %dma_start3A_208] : memref<10000x256xf32, #tpu.memory_space<hbm>> -> memref<40x256xf32, #tpu.memory_space<hbm>>
    %dma_start3A_210 = arith.constant 0 : i32
    %dma_start3A_211 = arith.constant 0 : i32
    %dma_start3A_212 = tpu.memref_slice %arg4[%dma_start3A_201, %dma_start3A_210, %dma_start3A_211] : memref<4x40x256xf32, #tpu.memory_space<vmem>> -> memref<1x40x256xf32, #tpu.memory_space<vmem>>
    %dma_start3A_213 = tpu.memref_squeeze %dma_start3A_212 : memref<1x40x256xf32, #tpu.memory_space<vmem>> -> memref<40x256xf32, #tpu.memory_space<vmem>>
    tpu.enqueue_dma source(%dma_start3A_213 : memref<40x256xf32, #tpu.memory_space<vmem>>) target(%dma_start3A_209 : memref<40x256xf32, #tpu.memory_space<hbm>>) target_semaphore(%arg7 : memref<!tpu.dma_semaphore, #tpu.memory_space<semaphore_mem>>)
    %add3A_214 = arith.constant 32 : i32
    %add3A_215 = arith.addi %add3A, %add3A_214 : i32
    %min3A_216 = arith.constant 124 : i32
    %min3A_217 = arith.minsi %add3A_215, %min3A_216 : i32
    %mul3A_218 = arith.constant 40 : i32
    %mul3A_219 = arith.muli %min3A_217, %mul3A_218 : i32
    %multiple_of3A_220 = tpu.assume_multiple %mul3A_219, 8 : i32
    %dma_start3A_221 = arith.constant 1 : i32
    %dma_start3A_222 = arith.constant 0 : i32
    %dma_start3A_223 = arith.constant 0 : i32
    %dma_start3A_224 = tpu.memref_slice %arg4[%dma_start3A_221, %dma_start3A_222, %dma_start3A_223] : memref<4x40x256xf32, #tpu.memory_space<vmem>> -> memref<1x40x256xf32, #tpu.memory_space<vmem>>
    %dma_start3A_225 = tpu.memref_squeeze %dma_start3A_224 : memref<1x40x256xf32, #tpu.memory_space<vmem>> -> memref<40x256xf32, #tpu.memory_space<vmem>>
    %dma_start3A_226 = arith.constant 0 : i32
    %dma_start3A_227 = tpu.memref_slice %arg3[%multiple_of3A_220, %dma_start3A_226] : memref<10000x256xf32, #tpu.memory_space<hbm>> -> memref<40x256xf32, #tpu.memory_space<hbm>>
    %dma_start3A_228 = arith.constant 0 : i32
    %dma_start3A_229 = tpu.memref_slice %arg3[%multiple_of3A_220, %dma_start3A_228] : memref<10000x256xf32, #tpu.memory_space<hbm>> -> memref<40x256xf32, #tpu.memory_space<hbm>>
    %dma_start3A_230 = arith.constant 0 : i32
    %dma_start3A_231 = arith.constant 0 : i32
    %dma_start3A_232 = tpu.memref_slice %arg4[%dma_start3A_221, %dma_start3A_230, %dma_start3A_231] : memref<4x40x256xf32, #tpu.memory_space<vmem>> -> memref<1x40x256xf32, #tpu.memory_space<vmem>>
    %dma_start3A_233 = tpu.memref_squeeze %dma_start3A_232 : memref<1x40x256xf32, #tpu.memory_space<vmem>> -> memref<40x256xf32, #tpu.memory_space<vmem>>
    tpu.enqueue_dma source(%dma_start3A_233 : memref<40x256xf32, #tpu.memory_space<vmem>>) target(%dma_start3A_229 : memref<40x256xf32, #tpu.memory_space<hbm>>) target_semaphore(%arg7 : memref<!tpu.dma_semaphore, #tpu.memory_space<semaphore_mem>>)
    %add3A_234 = arith.constant 64 : i32
    %add3A_235 = arith.addi %add3A, %add3A_234 : i32
    %min3A_236 = arith.constant 124 : i32
    %min3A_237 = arith.minsi %add3A_235, %min3A_236 : i32
    %mul3A_238 = arith.constant 40 : i32
    %mul3A_239 = arith.muli %min3A_237, %mul3A_238 : i32
    %multiple_of3A_240 = tpu.assume_multiple %mul3A_239, 8 : i32
    %dma_start3A_241 = arith.constant 2 : i32
    %dma_start3A_242 = arith.constant 0 : i32
    %dma_start3A_243 = arith.constant 0 : i32
    %dma_start3A_244 = tpu.memref_slice %arg4[%dma_start3A_241, %dma_start3A_242, %dma_start3A_243] : memref<4x40x256xf32, #tpu.memory_space<vmem>> -> memref<1x40x256xf32, #tpu.memory_space<vmem>>
    %dma_start3A_245 = tpu.memref_squeeze %dma_start3A_244 : memref<1x40x256xf32, #tpu.memory_space<vmem>> -> memref<40x256xf32, #tpu.memory_space<vmem>>
    %dma_start3A_246 = arith.constant 0 : i32
    %dma_start3A_247 = tpu.memref_slice %arg3[%multiple_of3A_240, %dma_start3A_246] : memref<10000x256xf32, #tpu.memory_space<hbm>> -> memref<40x256xf32, #tpu.memory_space<hbm>>
    %dma_start3A_248 = arith.constant 0 : i32
    %dma_start3A_249 = tpu.memref_slice %arg3[%multiple_of3A_240, %dma_start3A_248] : memref<10000x256xf32, #tpu.memory_space<hbm>> -> memref<40x256xf32, #tpu.memory_space<hbm>>
    %dma_start3A_250 = arith.constant 0 : i32
    %dma_start3A_251 = arith.constant 0 : i32
    %dma_start3A_252 = tpu.memref_slice %arg4[%dma_start3A_241, %dma_start3A_250, %dma_start3A_251] : memref<4x40x256xf32, #tpu.memory_space<vmem>> -> memref<1x40x256xf32, #tpu.memory_space<vmem>>
    %dma_start3A_253 = tpu.memref_squeeze %dma_start3A_252 : memref<1x40x256xf32, #tpu.memory_space<vmem>> -> memref<40x256xf32, #tpu.memory_space<vmem>>
    tpu.enqueue_dma source(%dma_start3A_253 : memref<40x256xf32, #tpu.memory_space<vmem>>) target(%dma_start3A_249 : memref<40x256xf32, #tpu.memory_space<hbm>>) target_semaphore(%arg7 : memref<!tpu.dma_semaphore, #tpu.memory_space<semaphore_mem>>)
    %add3A_254 = arith.constant 96 : i32
    %add3A_255 = arith.addi %add3A, %add3A_254 : i32
    %min3A_256 = arith.constant 124 : i32
    %min3A_257 = arith.minsi %add3A_255, %min3A_256 : i32
    %mul3A_258 = arith.constant 40 : i32
    %mul3A_259 = arith.muli %min3A_257, %mul3A_258 : i32
    %multiple_of3A_260 = tpu.assume_multiple %mul3A_259, 8 : i32
    %dma_start3A_261 = arith.constant 3 : i32
    %dma_start3A_262 = arith.constant 0 : i32
    %dma_start3A_263 = arith.constant 0 : i32
    %dma_start3A_264 = tpu.memref_slice %arg4[%dma_start3A_261, %dma_start3A_262, %dma_start3A_263] : memref<4x40x256xf32, #tpu.memory_space<vmem>> -> memref<1x40x256xf32, #tpu.memory_space<vmem>>
    %dma_start3A_265 = tpu.memref_squeeze %dma_start3A_264 : memref<1x40x256xf32, #tpu.memory_space<vmem>> -> memref<40x256xf32, #tpu.memory_space<vmem>>
    %dma_start3A_266 = arith.constant 0 : i32
    %dma_start3A_267 = tpu.memref_slice %arg3[%multiple_of3A_260, %dma_start3A_266] : memref<10000x256xf32, #tpu.memory_space<hbm>> -> memref<40x256xf32, #tpu.memory_space<hbm>>
    %dma_start3A_268 = arith.constant 0 : i32
    %dma_start3A_269 = tpu.memref_slice %arg3[%multiple_of3A_260, %dma_start3A_268] : memref<10000x256xf32, #tpu.memory_space<hbm>> -> memref<40x256xf32, #tpu.memory_space<hbm>>
    %dma_start3A_270 = arith.constant 0 : i32
    %dma_start3A_271 = arith.constant 0 : i32
    %dma_start3A_272 = tpu.memref_slice %arg4[%dma_start3A_261, %dma_start3A_270, %dma_start3A_271] : memref<4x40x256xf32, #tpu.memory_space<vmem>> -> memref<1x40x256xf32, #tpu.memory_space<vmem>>
    %dma_start3A_273 = tpu.memref_squeeze %dma_start3A_272 : memref<1x40x256xf32, #tpu.memory_space<vmem>> -> memref<40x256xf32, #tpu.memory_space<vmem>>
    tpu.enqueue_dma source(%dma_start3A_273 : memref<40x256xf32, #tpu.memory_space<vmem>>) target(%dma_start3A_269 : memref<40x256xf32, #tpu.memory_space<hbm>>) target_semaphore(%arg7 : memref<!tpu.dma_semaphore, #tpu.memory_space<semaphore_mem>>)
    %dma_wait3A_274 = arith.constant 0 : i32
    %dma_wait3A_275 = arith.constant 0 : i32
    %dma_wait3A_276 = tpu.memref_slice %arg3[%dma_wait3A_274, %dma_wait3A_275] : memref<10000x256xf32, #tpu.memory_space<hbm>> -> memref<40x256xf32, #tpu.memory_space<hbm>>
    %dma_wait3A_277 = arith.constant 0 : i32
    %dma_wait3A_278 = arith.constant 0 : i32
    %dma_wait3A_279 = tpu.memref_slice %arg3[%dma_wait3A_277, %dma_wait3A_278] : memref<10000x256xf32, #tpu.memory_space<hbm>> -> memref<40x256xf32, #tpu.memory_space<hbm>>
    tpu.wait_dma2 semaphore(%arg7 : memref<!tpu.dma_semaphore, #tpu.memory_space<semaphore_mem>>) src(%arg5 : memref<40x256xf32, #tpu.memory_space<vmem>>) dst(%dma_wait3A_279 : memref<40x256xf32, #tpu.memory_space<hbm>>)
    %dma_wait3A_280 = arith.constant 0 : i32
    %dma_wait3A_281 = arith.constant 0 : i32
    %dma_wait3A_282 = tpu.memref_slice %arg3[%dma_wait3A_280, %dma_wait3A_281] : memref<10000x256xf32, #tpu.memory_space<hbm>> -> memref<40x256xf32, #tpu.memory_space<hbm>>
    %dma_wait3A_283 = arith.constant 0 : i32
    %dma_wait3A_284 = arith.constant 0 : i32
    %dma_wait3A_285 = tpu.memref_slice %arg3[%dma_wait3A_283, %dma_wait3A_284] : memref<10000x256xf32, #tpu.memory_space<hbm>> -> memref<40x256xf32, #tpu.memory_space<hbm>>
    tpu.wait_dma2 semaphore(%arg7 : memref<!tpu.dma_semaphore, #tpu.memory_space<semaphore_mem>>) src(%arg5 : memref<40x256xf32, #tpu.memory_space<vmem>>) dst(%dma_wait3A_285 : memref<40x256xf32, #tpu.memory_space<hbm>>)
    %dma_wait3A_286 = arith.constant 0 : i32
    %dma_wait3A_287 = arith.constant 0 : i32
    %dma_wait3A_288 = tpu.memref_slice %arg3[%dma_wait3A_286, %dma_wait3A_287] : memref<10000x256xf32, #tpu.memory_space<hbm>> -> memref<40x256xf32, #tpu.memory_space<hbm>>
    %dma_wait3A_289 = arith.constant 0 : i32
    %dma_wait3A_290 = arith.constant 0 : i32
    %dma_wait3A_291 = tpu.memref_slice %arg3[%dma_wait3A_289, %dma_wait3A_290] : memref<10000x256xf32, #tpu.memory_space<hbm>> -> memref<40x256xf32, #tpu.memory_space<hbm>>
    tpu.wait_dma2 semaphore(%arg7 : memref<!tpu.dma_semaphore, #tpu.memory_space<semaphore_mem>>) src(%arg5 : memref<40x256xf32, #tpu.memory_space<vmem>>) dst(%dma_wait3A_291 : memref<40x256xf32, #tpu.memory_space<hbm>>)
    %dma_wait3A_292 = arith.constant 0 : i32
    %dma_wait3A_293 = arith.constant 0 : i32
    %dma_wait3A_294 = tpu.memref_slice %arg3[%dma_wait3A_292, %dma_wait3A_293] : memref<10000x256xf32, #tpu.memory_space<hbm>> -> memref<40x256xf32, #tpu.memory_space<hbm>>
    %dma_wait3A_295 = arith.constant 0 : i32
    %dma_wait3A_296 = arith.constant 0 : i32
    %dma_wait3A_297 = tpu.memref_slice %arg3[%dma_wait3A_295, %dma_wait3A_296] : memref<10000x256xf32, #tpu.memory_space<hbm>> -> memref<40x256xf32, #tpu.memory_space<hbm>>
    tpu.wait_dma2 semaphore(%arg7 : memref<!tpu.dma_semaphore, #tpu.memory_space<semaphore_mem>>) src(%arg5 : memref<40x256xf32, #tpu.memory_space<vmem>>) dst(%dma_wait3A_297 : memref<40x256xf32, #tpu.memory_space<hbm>>)
    %dma_wait3A_298 = arith.constant 0 : i32
    %dma_wait3A_299 = arith.constant 0 : i32
    %dma_wait3A_300 = tpu.memref_slice %arg3[%dma_wait3A_298, %dma_wait3A_299] : memref<10000x256xf32, #tpu.memory_space<hbm>> -> memref<40x256xf32, #tpu.memory_space<hbm>>
    %dma_wait3A_301 = arith.constant 0 : i32
    %dma_wait3A_302 = arith.constant 0 : i32
    %dma_wait3A_303 = tpu.memref_slice %arg3[%dma_wait3A_301, %dma_wait3A_302] : memref<10000x256xf32, #tpu.memory_space<hbm>> -> memref<40x256xf32, #tpu.memory_space<hbm>>
    tpu.wait_dma2 semaphore(%arg7 : memref<!tpu.dma_semaphore, #tpu.memory_space<semaphore_mem>>) src(%arg5 : memref<40x256xf32, #tpu.memory_space<vmem>>) dst(%dma_wait3A_303 : memref<40x256xf32, #tpu.memory_space<hbm>>)
    %dma_wait3A_304 = arith.constant 0 : i32
    %dma_wait3A_305 = arith.constant 0 : i32
    %dma_wait3A_306 = tpu.memref_slice %arg3[%dma_wait3A_304, %dma_wait3A_305] : memref<10000x256xf32, #tpu.memory_space<hbm>> -> memref<40x256xf32, #tpu.memory_space<hbm>>
    %dma_wait3A_307 = arith.constant 0 : i32
    %dma_wait3A_308 = arith.constant 0 : i32
    %dma_wait3A_309 = tpu.memref_slice %arg3[%dma_wait3A_307, %dma_wait3A_308] : memref<10000x256xf32, #tpu.memory_space<hbm>> -> memref<40x256xf32, #tpu.memory_space<hbm>>
    tpu.wait_dma2 semaphore(%arg7 : memref<!tpu.dma_semaphore, #tpu.memory_space<semaphore_mem>>) src(%arg5 : memref<40x256xf32, #tpu.memory_space<vmem>>) dst(%dma_wait3A_309 : memref<40x256xf32, #tpu.memory_space<hbm>>)
    %dma_wait3A_310 = arith.constant 0 : i32
    %dma_wait3A_311 = arith.constant 0 : i32
    %dma_wait3A_312 = tpu.memref_slice %arg3[%dma_wait3A_310, %dma_wait3A_311] : memref<10000x256xf32, #tpu.memory_space<hbm>> -> memref<40x256xf32, #tpu.memory_space<hbm>>
    %dma_wait3A_313 = arith.constant 0 : i32
    %dma_wait3A_314 = arith.constant 0 : i32
    %dma_wait3A_315 = tpu.memref_slice %arg3[%dma_wait3A_313, %dma_wait3A_314] : memref<10000x256xf32, #tpu.memory_space<hbm>> -> memref<40x256xf32, #tpu.memory_space<hbm>>
    tpu.wait_dma2 semaphore(%arg7 : memref<!tpu.dma_semaphore, #tpu.memory_space<semaphore_mem>>) src(%arg5 : memref<40x256xf32, #tpu.memory_space<vmem>>) dst(%dma_wait3A_315 : memref<40x256xf32, #tpu.memory_space<hbm>>)
    %dma_wait3A_316 = arith.constant 0 : i32
    %dma_wait3A_317 = arith.constant 0 : i32
    %dma_wait3A_318 = tpu.memref_slice %arg3[%dma_wait3A_316, %dma_wait3A_317] : memref<10000x256xf32, #tpu.memory_space<hbm>> -> memref<40x256xf32, #tpu.memory_space<hbm>>
    %dma_wait3A_319 = arith.constant 0 : i32
    %dma_wait3A_320 = arith.constant 0 : i32
    %dma_wait3A_321 = tpu.memref_slice %arg3[%dma_wait3A_319, %dma_wait3A_320] : memref<10000x256xf32, #tpu.memory_space<hbm>> -> memref<40x256xf32, #tpu.memory_space<hbm>>
    tpu.wait_dma2 semaphore(%arg7 : memref<!tpu.dma_semaphore, #tpu.memory_space<semaphore_mem>>) src(%arg5 : memref<40x256xf32, #tpu.memory_space<vmem>>) dst(%dma_wait3A_321 : memref<40x256xf32, #tpu.memory_space<hbm>>)
    return
  }
}

</mosaic_0001>

<sc_bundles>
// kernel: kernel.3.cloned.1.call-start
scs
__scs_entry_jumppad:
0x0: {  	(pc) =	sbr.rel $0x88, $3  }
0x1: {  	(tag) =	ssettag $0x0;
	lr =	simm.s32 $0x1  }
0x2: {  	[smem:$0x3F9F] =	sst lr;
	_ =	strace $0xD0000000  }
0x3: {  	_ = 	snop  }
0x4: {  	_ = 	snop  }
0x5: {  	_ = 	snop  }
0x6: {  	_ = 	snop  }
0x7: {  	_ = 	snop  }
__scs_overlays_trampoline_lowered:
0x8: {  	[smem:$0x3FAE] =	sst s0  }
0x9: {  	[smem:$0x3FAF] =	sst s1  }
0xa: {  	[smem:$0x3FB0] =	sst s2  }
0xb: {  	[smem:$0x3FB1] =	sst s3  }
0xc: {  	[smem:$0x3FB2] =	sst s4  }
0xd: {  	[smem:$0x3FB3] =	sst s5  }
0xe: {  	[smem:$0x3FB4] =	sst s6  }
0xf: {  	[smem:$0x3FB5] =	sst s7  }
0x10: {  	[smem:$0x3FB6] =	sst s8  }
0x11: {  	[smem:$0x3FB7] =	sst s9;
	s0 =	simm.s32 @!p0 $0x0  }
0x12: {  	s1 =	sld [smem:$0x3F9D];
	s0 =	simm.s32 @p0 $0x1  }
0x13: {  	[smem:$0x3FB8] =	sst s0;
	s0 =	simm.s32 @!p1 $0x0  }
0x14: {  	s2 =	sld [smem:$0x3F9C];
	s0 =	simm.s32 @p1 $0x1  }
0x15: {  	[smem:$0x3FB9] =	sst s0;
	s0 =	simm.s32 @!p2 $0x0  }
0x16: {  	s3 =	sld [smem:$0x3FDB];
	s0 =	simm.s32 @p2 $0x1  }
0x17: {  	s4 =	simm.s32 $0x1BF5;
	[smem:$0x3FBB] =	sst s0  }
0x18: {  	s0 =	sld [smem:$0x3F9E];
	_ =	swait.ge [sflag:s4], $0x0  }
0x19: {  	s7 =	sld [smem:$0x3F9F]  }
0x1a: {  	s8 =	sadd.s32 $0xFFFFE003, lr  }
0x1b: {  	s9 =	sadd.s32 $0xFFFFFEF7, lr;
	s5 =	simm.s32 $0xFFFFFFFF;
	p2 =	slt.u32 s8, $0xFFFFF086  }
0x1c: {  	p1 =	slt.u32 s9, $0xF7A;
	s5 =	simm.s32 @!p2 $0x0  }
0x1d: {  	s5 =	simm.s32 @p1 $0x1;
	p0 =	seq.s32 s7, s2  }
0x1e: {  	s7 =	smul.u32 @!p0 $0xF7A, s2;
	p2 =	seq.s32 @!p0 s5, $0x0  }
0x1f: {  	s9 =	smul.u32 $0xF7A, s1;
	s8 =	simm.s32 @!p0 $0x1BF5;
	p2 =	por !p2, p0  }
0x20: {  	[sflag:s8] =	ssyncset.s32 @!p0 $0xFFFFF086;
	s6 =	sadd.s32 @!p0 s3, s7;
	s7 =	simm.s32 @!p0 $0x108  }
0x21: {  	s3 =	sadd.s32 s3, s9;
	s6 =	sadd.s32 @!p0 $0x88, s6;
	s7 =	simm.s32 @p2 $0x1082  }
0x22: {  	[simem:s7], [sflag:s8] =	dma.local @!p0 [hbm:s6], $0xF7A  }
0x23: {  	s9 =	sor.u32 $0xD0000000, s2;
	s6 =	simm.s32 $0x108;
	_ =	swait.ge @!p0 [sflag:s8], $0x0  }
0x24: {  	s3 =	sadd.s32 $0x88, s3;
	s6 =	simm.s32 @!p1 $0x1082;
	[sflag:s4] =	ssyncset.s32 $0xFFFFF086  }
0x25: {  	[simem:s6], [sflag:s4] =	dma.local [hbm:s3], $0xF7A  }
0x26: {  	[smem:$0x3F9F] =	sst s1;
	(tag) =	ssettag s2;
	_ =	strace s9  }
0x27: {  	s1 =	sld [smem:$0x3FAF]  }
0x28: {  	s2 =	sld [smem:$0x3FB0]  }
0x29: {  	s4 =	sld [smem:$0x3FB2]  }
0x2a: {  	p0 =	seq.s32 s5, $0x0;
	s5 =	sld [smem:$0x3FB3]  }
0x2b: {  	s6 =	sld [smem:$0x3FB4]  }
0x2c: {  	s7 =	sld [smem:$0x3FB5]  }
0x2d: {  	s3 =	simm.s32 $0x108;
	s8 =	sld [smem:$0x3FB6]  }
0x2e: {  	s3 =	simm.s32 @!p0 $0x1082;
	s9 =	sld [smem:$0x3FB7]  }
0x2f: {  	lr =	sadd.s32 s0, s3;
	s0 =	sld [smem:$0x3FAE]  }
0x30: {  	s3 =	sld [smem:$0x3FB1]  }
0x31: {  	[smem:$0x3FBA] =	sst s10  }
0x32: {  	s10 =	sld [smem:$0x3FB8];
	_ =	sdelay $0x3  }
0x33: {  	p0 =	seq.s32 s10, $0x1;
	s10 =	sld [smem:$0x3FBA];
	_ =	sdelay $0x3  }
0x34: {  	[smem:$0x3FBA] =	sst s10  }
0x35: {  	s10 =	sld [smem:$0x3FB9];
	_ =	sdelay $0x3  }
0x36: {  	p1 =	seq.s32 s10, $0x1;
	s10 =	sld [smem:$0x3FBA];
	_ =	sdelay $0x3  }
0x37: {  	[smem:$0x3FBA] =	sst s10  }
0x38: {  	s10 =	sld [smem:$0x3FBB]  }
0x39: {  	_ = 	snop;
	(pc) =	sbr.ind lr, $3  }
0x3a: {  	_ = 	snop  }
0x3b: {  	_ = 	snop  }
0x3c: {  	p2 =	seq.s32 s10, $0x1;
	s10 =	sld [smem:$0x3FBA]  }
0x3d: {  	_ =	shalt  }
0x3e: {  	_ =	shalt  }
0x3f: {  	_ =	shalt  }
0x40: {  	_ =	shalt  }
0x41: {  	_ =	shalt  }
0x42: {  	_ =	shalt  }
0x43: {  	_ =	shalt  }
0x44: {  	_ =	shalt  }
0x45: {  	_ =	shalt  }
0x46: {  	_ =	shalt  }
0x47: {  	_ =	shalt  }
0x48: {  	_ =	shalt  }
0x49: {  	_ =	shalt  }
0x4a: {  	_ =	shalt  }
0x4b: {  	_ =	shalt  }
0x4c: {  	_ =	shalt  }
0x4d: {  	_ =	shalt  }
0x4e: {  	_ =	shalt  }
0x4f: {  	_ =	shalt  }
0x50: {  	_ =	shalt  }
0x51: {  	_ =	shalt  }
0x52: {  	_ =	shalt  }
0x53: {  	_ =	shalt  }
0x54: {  	_ =	shalt  }
0x55: {  	_ =	shalt  }
0x56: {  	_ =	shalt  }
0x57: {  	_ =	shalt  }
0x58: {  	_ =	shalt  }
0x59: {  	_ =	shalt  }
0x5a: {  	_ =	shalt  }
0x5b: {  	_ =	shalt  }
0x5c: {  	_ =	shalt  }
0x5d: {  	_ =	shalt  }
0x5e: {  	_ =	shalt  }
0x5f: {  	_ =	shalt  }
0x60: {  	_ =	shalt  }
0x61: {  	_ =	shalt  }
0x62: {  	_ =	shalt  }
0x63: {  	_ =	shalt  }
0x64: {  	_ =	shalt  }
0x65: {  	_ =	shalt  }
0x66: {  	_ =	shalt  }
0x67: {  	_ =	shalt  }
0x68: {  	_ =	shalt  }
0x69: {  	_ =	shalt  }
0x6a: {  	_ =	shalt  }
0x6b: {  	_ =	shalt  }
0x6c: {  	_ =	shalt  }
0x6d: {  	_ =	shalt  }
0x6e: {  	_ =	shalt  }
0x6f: {  	_ =	shalt  }
0x70: {  	_ =	shalt  }
0x71: {  	_ =	shalt  }
0x72: {  	_ =	shalt  }
0x73: {  	_ =	shalt  }
0x74: {  	_ =	shalt  }
0x75: {  	_ =	shalt  }
0x76: {  	_ =	shalt  }
0x77: {  	_ =	shalt  }
0x78: {  	_ =	shalt  }
0x79: {  	_ =	shalt  }
0x7a: {  	_ =	shalt  }
0x7b: {  	_ =	shalt  }
0x7c: {  	_ =	shalt  }
0x7d: {  	_ =	shalt  }
0x7e: {  	_ =	shalt  }
0x7f: {  	_ =	shalt  }
0x80: {  	_ =	shalt  }
0x81: {  	_ =	shalt  }
0x82: {  	_ =	shalt  }
0x83: {  	_ =	shalt  }
0x84: {  	_ =	shalt  }
0x85: {  	_ =	shalt  }
0x86: {  	_ =	shalt  }
0x87: {  	_ =	shalt  }
.Lfunc_end0:
.L_simem_size_0:
called_computation_lowered:
.L_overlay_start_0:
0x88: {  	s2 =	sld [smem:$0x3FD9]  }
0x89: {  	s3 =	sld [smem:$0x3FFE];
	_ =	sdelay $0x1  }
0x8a: {  	s1 =	srdreg.scid  }
0x8b: {  	s0 =	sand.u32 $0x1, s1  }
0x8c: {  	s15 =	sshll.u32 s0, $0xA;
	s2 =	sadd.s32 s3, s2  }
0x8d: {  	s2 =	sadd.s32 s2, s15  }
0x8e: {  	[smem:$0x3FC6] =	sst s2  }
0x8f: {  	_ = 	snop  }
0x90: {  	s2 =	sld [smem:$0x3FD0];
	_ =	sdelay $0x2  }
0x91: {  	s4 =	simm.s32 $0xA;
	s5 =	simm.s32 $0x10;
	s16 =	sld [smem:$0x3FC8]  }
0x92: {  	[smem:s5], [sflag:s4] =	dma.local [hbm:s2], $0x1  }
0x93: {  	_ =	swait.eq [sflag:s4], $0x1  }
0x94: {  	[sflag:s4] =	ssyncset.done $0x0  }
0x95: {  	[sflag:s4] =	ssyncadd.s32 $0xFFFFFFFF  }
0x96: {  	s17 =	sld [smem:$0x11];
	(tm) =	ssettm $0x1  }
0x97: {  	s18 =	sld [smem:$0x3FFB];
	_ =	sdelay $0x3  }
0x98: {  	_ =	strace s18  }
0x99: {  	s4 =	sld [smem:$0x3FFC];
	_ =	sdelay $0x3  }
0x9a: {  	_ =	strace s4  }
0x9b: {  	s4 =	sld [smem:$0x3FFD];
	_ =	sdelay $0x3  }
0x9c: {  	_ =	strace s4  }
0x9d: {  	_ =	strace $0x8FFFFFFF  }
0x9e: {  	s19 =	sld [smem:$0x3FDB];
	_ =	sdelay $0x1  }
0x9f: {  	s20 =	simm.s32 $_scs_section_size  }
0xa0: {  	s6 =	simm.s32 $_size__tile_overlayer_lowered;
	s7 =	simm.s32 $_tile_overlayer_lowered  }
0xa1: {  	s23 =	simm.s32 $0x1BFF;
	s22 =	sshll.u32 s7, $0x1;
	s4 =	sadd.s32 s20, s19  }
0xa2: {  	s8 =	simm.s32 $0x0;
	s21 =	sshll.u32 s6, $0x1;
	s6 =	sadd.s32 s22, s4  }
0xa3: {  	[timem:s8], [sflag:s23] =	dma.local [hbm:s6], s21  }
0xa4: {  	_ =	swait.ge [sflag:s23], s21  }
0xa5: {  	s5 =	ssub.s32 $0x0, s21;
	[sflag:s23] =	ssyncset.done $0x0  }
0xa6: {  	[sflag:s23] =	ssyncadd.s32 s5;
	_ =	sdelay $0x1  }
0xa7: {  	s24 =	simm.s32 $0x1B8B  }
0xa8: {  	_ =	swait.ge [sflag:s24], $0x1  }
0xa9: {  	[sflag:s24] =	ssyncset.done $0x0  }
0xaa: {  	s25 =	simm.s32 $0x1B8E;
	[sflag:s24] =	ssyncadd.s32 $0xFFFFFFFF  }
0xab: {  	s26 =	simm.s32 $execute0_lowered;
	[smem:$0x3FD2] =	sst s25  }
0xac: {  	s5 =	sshll.u32 s26, $0x1;
	_ =	strace $0x80000046;
	[dreg:$0x1] =	wrdreg $0xFFFFFFFF  }
0xad: {  	s28 =	simm.s32 $_size_execute0_lowered;
	s4 =	sadd.s32 s4, s5;
	[dreg:$0x0] =	wrdreg $0x0  }
0xae: {  	s5 =	sshll.u32 s28, $0x1;
	[dreg:$0x2] =	wrdreg s4  }
0xaf: {  	[dreg:$0x3] =	wrdreg s5  }
0xb0: {  	[dreg:$0x4] =	wrdreg $0xC0  }
0xb1: {  	_ =	task [dreg:s8], $0x5FFFF  }
0xb2: {  	[dreg:$0x1] =	wrdreg $0xFFFFFFFF  }
0xb3: {  	[dreg:$0x0] =	wrdreg $0x60  }
0xb4: {  	[dreg:$0x2] =	wrdreg s16  }
0xb5: {  	[dreg:$0x3] =	wrdreg s17  }
0xb6: {  	[dreg:$0x4] =	wrdreg $0x9  }
0xb7: {  	_ =	task.clear_ibuf [dreg:s8], $0x5FFFF;
	_ =	strace $0x90000046  }
0xb8: {  	s29 =	simm.s32 $0x9;
	_ =	strace $0x80000048  }
0xb9: {  	_ =	swait.ge [sflag:s29], $0x1  }
0xba: {  	[sflag:s29] =	ssyncadd.s32 $0xFFFFFFFF  }
0xbb: {  	_ =	strace $0x90000048  }
0xbc: {  	_ =	sfence  }
0xbd: {  	s30 =	sld [smem:$0x0];
	_ =	sdelay $0x2  }
0xbe: {  	s31 =	sshll.u32 s1, $0xD;
	s1 =	sshrl.u32 s1, $0x2  }
0xbf: {  	s3 =	sand.u32 $0x4000, s31;
	s1 =	sadd.s32 s1, s30  }
0xc0: {  	s0 =	sor.u32 s3, s0;
	s1 =	sshll.u32 s1, $0x11  }
0xc1: {  	s0 =	sor.u32 s1, s0  }
0xc2: {  	s0 =	sadd.s32 $0x8F2B, s0  }
0xc3: {  	[sflag:s0] =	ssyncadd.remote.s32 $0x1  }
0xc4: {  	_ =	sfence.sel $0xFFFF  }
0xc5: {  	[dreg:$0x0] =	wrdreg $0xFFFFFFFF;
	(pc) =	sbr.abs _section_cstart, $3  }
0xc6: {  	[dreg:$0x1] =	wrdreg $0xFFFFFFFF  }
0xc7: {  	_ =	task.clear_ibuf [dreg:s8], $0x2FFFF;
	_ =	strace $0x9FFFFFFF  }
0xc8: {  	(tm) =	ssettm $0x7FFFFFFF  }
0xc9: {  	_ =	shalt  }
tec
execute0_lowered:
.L_overlay_start_1:
0x0: {  	(tag) =	ssettag $0x1  }
0x1: {  	s1 =	srdreg.scid  }
0x2: {  	s0 =	stileid.u32;
	s6 =	rddreg [dreg:$0x0]  }
0x3: {  	s14 =	rddreg [dreg:$0x1];
	s3 =	sand.u32 $0x1, s1;
	s28 =	sshll.u32 s0, $0x1  }
0x4: {  	s18 =	simm.s32 $0x7800;
	s19 =	simm.s32 $0xA000;
	s4 =	sor.u32 s3, s28  }
0x5: {  	s20 =	simm.s32 $0x1;
	s11 =	smul.u32 $0x500, s4;
	s5 =	sor.u32 $0x20, s4  }
0x6: {  	s7 =	sor.u32 $0x40, s4;
	s2 =	smin.u32 s4, $0x1C;
	s4 =	smul.u32 $0x2800, s4  }
0x7: {  	s21 =	simm.s32 $0x2;
	s22 =	simm.s32 $0x0;
	s12 =	smul.u32 $0x500, s5  }
0x8: {  	s1 =	rddreg [dreg:$0x2];
	s3 =	ssub.s32 $0x2, s3;
	s13 =	smul.u32 $0x500, s7  }
0x9: {  	s9 =	sshrl.u32 s3, $0x1;
	s8 =	sor.u32 $0x60, s2;
	s29 =	smul.u32 $0x2800, s5  }
0xa: {  	s2 =	simm.s32 $0x0;
	s16 =	ssub.s32 s3, s9;
	s10 =	smul.u32 $0x2800, s7  }
0xb: {  	s15 =	smul.u32 $0x500, s8;
	[smem:$0x7FF] =	sst s2;
	s3 =	sadd.s32 s6, s11  }
0xc: {  	s30 =	sshrl.u32 s4, $0x3;
	s8 =	smul.u32 $0x2800, s8;
	s11 =	sadd.s32 s14, s11  }
0xd: {  	_ =	strace $0x80000047;
	s4 =	sadd.s32 s6, s12;
	s31 =	sadd.s32 s14, s30  }
0xe: {  	s5 =	sadd.s32 s6, s13;
	s9 =	sshrl.u32 s29, $0x3;
	s10 =	sshrl.u32 s10, $0x3  }
0xf: {  	s12 =	sadd.s32 s14, s12;
	s13 =	sadd.s32 s14, s13;
	s6 =	sadd.s32 s6, s15  }
0x10: {  	s7 =	sadd.s32 $0x27100, s31;
	s8 =	sshrl.u32 s8, $0x3;
	s9 =	sadd.s32 s14, s9  }
0x11: {  	s10 =	sadd.s32 s14, s10;
	s17 =	sadd.s32 s14, s8;
	s8 =	sadd.s32 $0x27100, s9  }
0x12: {  	s9 =	sadd.s32 $0x27100, s10;
	s14 =	sadd.s32 s14, s15;
	s15 =	smax.u32 s16, $0x1  }
0x13: {  	v0 =	vimm.f32 $0.0e+00;
	s16 =	simm.s32 $0x2800;
	s10 =	sadd.s32 $0x27100, s17;
	s17 =	simm.s32 $0x5000  }
.LBB2_1:
0x14: {  	[tilespmem:s2], [sflag:$0x1] =	stream.linear.gather [hbm4b:s3+s2], $0x2800, $0x38;
	[tilespmem:$0xC800] =	vst v63  }
0x15: {  	_ = 	snop  }
0x16: {  	[tilespmem:s16], [sflag:$0x1] =	stream.linear.gather [hbm4b:s4+s2], $0x2800, $0x38;
	[tilespmem:$0xC800] =	vst v63  }
0x17: {  	s23 =	sand.u32 $0x3800, s2;
	s24 =	sand.u32 $0x380, s2  }
0x18: {  	[tilespmem:s17], [sflag:$0x1] =	stream.linear.gather [hbm4b:s5+s2], $0x2800, $0x38;
	[tilespmem:$0xC800] =	vst v63  }
0x19: {  	s23 =	sor.u32 s24, s23  }
0x1a: {  	[tilespmem:s18], [sflag:$0x1] =	stream.linear.gather [hbm4b:s6+s2], $0x2800, $0x38;
	[tilespmem:$0xC800] =	vst v63  }
0x1b: {  	[tilespmem:s23+$0xA470] =	vst v0  }
0x1c: {  	[tilespmem:s23+$0xA000] =	vst v0  }
0x1d: {  	[tilespmem:s23+$0xA010] =	vst v0  }
0x1e: {  	[tilespmem:s23+$0xA020] =	vst v0  }
0x1f: {  	[tilespmem:s23+$0xA030] =	vst v0  }
0x20: {  	[tilespmem:s23+$0xA040] =	vst v0  }
0x21: {  	[tilespmem:s23+$0xA050] =	vst v0  }
0x22: {  	[tilespmem:s23+$0xA060] =	vst v0  }
0x23: {  	[tilespmem:s23+$0xA070] =	vst v0  }
0x24: {  	[tilespmem:s23+$0xA400] =	vst v0  }
0x25: {  	[tilespmem:s23+$0xA410] =	vst v0  }
0x26: {  	[tilespmem:s23+$0xA420] =	vst v0  }
0x27: {  	[tilespmem:s23+$0xA430] =	vst v0  }
0x28: {  	s25 =	simm.s32 $0x100;
	s24 =	simm.s32 $0x80;
	[tilespmem:s23+$0xA440] =	vst v0  }
0x29: {  	s26 =	sand.u32 $0x3800, s25;
	s25 =	simm.s32 $0x200;
	s28 =	sand.u32 $0x380, s24;
	[tilespmem:s23+$0xA450] =	vst v0  }
.LBB2_2:
0x2a: {  	p0 =	sne.s32 s25, $0x2700;
	[tilespmem:s23+$0xA460] =	vst v0;
	s23 =	sor.u32 s28, s26  }
0x2b: {  	[tilespmem:s23+$0xA470] =	vst v0  }
0x2c: {  	[tilespmem:s23+$0xA000] =	vst v0  }
0x2d: {  	[tilespmem:s23+$0xA010] =	vst v0  }
0x2e: {  	[tilespmem:s23+$0xA020] =	vst v0  }
0x2f: {  	[tilespmem:s23+$0xA030] =	vst v0  }
0x30: {  	[tilespmem:s23+$0xA040] =	vst v0  }
0x31: {  	[tilespmem:s23+$0xA050] =	vst v0  }
0x32: {  	[tilespmem:s23+$0xA060] =	vst v0  }
0x33: {  	[tilespmem:s23+$0xA070] =	vst v0  }
0x34: {  	[tilespmem:s23+$0xA400] =	vst v0  }
.Ltmp0:
0x35: {  	[tilespmem:s23+$0xA410] =	vst v0;
	(pc) =	sbr.rel @p0 .LBB2_2-.Ltmp0, $4  }
0x36: {  	[tilespmem:s23+$0xA420] =	vst v0  }
0x37: {  	[tilespmem:s23+$0xA430] =	vst v0  }
0x38: {  	s24 =	sadd.s32 $0x80, s24;
	[tilespmem:s23+$0xA440] =	vst v0  }
0x39: {  	s26 =	sand.u32 $0x3800, s25;
	s25 =	sadd.s32 $0x100, s25;
	s28 =	sand.u32 $0x380, s24;
	[tilespmem:s23+$0xA450] =	vst v0  }
0x3a: {  	s24 =	sor.u32 s28, s26;
	[tilespmem:s23+$0xA460] =	vst v0  }
0x3b: {  	[tilespmem:s24+$0xA470] =	vst v0  }
0x3c: {  	[tilespmem:s24+$0xA000] =	vst v0  }
0x3d: {  	[tilespmem:s24+$0xA010] =	vst v0  }
0x3e: {  	[tilespmem:s24+$0xA020] =	vst v0  }
0x3f: {  	[tilespmem:s24+$0xA030] =	vst v0  }
0x40: {  	[tilespmem:s24+$0xA040] =	vst v0  }
0x41: {  	[tilespmem:s24+$0xA050] =	vst v0  }
0x42: {  	[tilespmem:s24+$0xA060] =	vst v0  }
0x43: {  	[tilespmem:s24+$0xA070] =	vst v0  }
0x44: {  	[tilespmem:s24+$0xA400] =	vst v0  }
0x45: {  	[tilespmem:s24+$0xA410] =	vst v0  }
0x46: {  	[tilespmem:s24+$0xA420] =	vst v0  }
0x47: {  	[tilespmem:s24+$0xA430] =	vst v0  }
0x48: {  	[tilespmem:s24+$0xA440] =	vst v0  }
0x49: {  	[tilespmem:s24+$0xA450] =	vst v0  }
0x4a: {  	[tilespmem:s24+$0xA460] =	vst v0  }
0x4b: {  	[hbm4b:s7+s2] =	stream.linear.scatter [tilespmem:s19], [sflag:$0x2], $0x2800, $0x38;
	[tilespmem:$0xC800] =	vst v63  }
0x4c: {  	_ = 	snop  }
0x4d: {  	[hbm4b:s8+s2] =	stream.linear.scatter [tilespmem:s19], [sflag:$0x2], $0x2800, $0x38;
	[tilespmem:$0xC800] =	vst v63  }
0x4e: {  	_ = 	snop  }
0x4f: {  	[hbm4b:s9+s2] =	stream.linear.scatter [tilespmem:s19], [sflag:$0x2], $0x2800, $0x38;
	[tilespmem:$0xC800] =	vst v63  }
0x50: {  	_ = 	snop  }
0x51: {  	[hbm4b:s10+s2] =	stream.linear.scatter [tilespmem:s19], [sflag:$0x2], $0x2800, $0x38;
	[tilespmem:$0xC800] =	vst v63  }
0x52: {  	_ =	swait.ge [sflag:s20], $0x2800  }
0x53: {  	[sflag:s20] =	ssyncset.done $0x0  }
0x54: {  	[sflag:s20] =	ssyncadd.s32 $0xFFFFD800  }
0x55: {  	_ =	swait.ge [sflag:s20], $0x2800  }
0x56: {  	[sflag:s20] =	ssyncset.done $0x0  }
0x57: {  	[sflag:s20] =	ssyncadd.s32 $0xFFFFD800  }
0x58: {  	_ =	swait.ge [sflag:s20], $0x2800  }
0x59: {  	[sflag:s20] =	ssyncset.done $0x0  }
0x5a: {  	[sflag:s20] =	ssyncadd.s32 $0xFFFFD800  }
0x5b: {  	_ =	swait.ge [sflag:s20], $0x2800  }
0x5c: {  	[sflag:s20] =	ssyncset.done $0x0  }
0x5d: {  	[sflag:s20] =	ssyncadd.s32 $0xFFFFD800  }
0x5e: {  	[hbm4b:s11+s2] =	stream.linear.scatter [tilespmem:s2], [sflag:$0x2], $0x2800, $0x38;
	[tilespmem:$0xC800] =	vst v63  }
0x5f: {  	_ = 	snop  }
0x60: {  	[hbm4b:s12+s2] =	stream.linear.scatter [tilespmem:s16], [sflag:$0x2], $0x2800, $0x38;
	[tilespmem:$0xC800] =	vst v63  }
0x61: {  	_ = 	snop  }
0x62: {  	[hbm4b:s13+s2] =	stream.linear.scatter [tilespmem:s17], [sflag:$0x2], $0x2800, $0x38;
	[tilespmem:$0xC800] =	vst v63  }
0x63: {  	_ = 	snop  }
0x64: {  	[hbm4b:s14+s2] =	stream.linear.scatter [tilespmem:s18], [sflag:$0x2], $0x2800, $0x38;
	[tilespmem:$0xC800] =	vst v63  }
0x65: {  	_ =	swait.ge [sflag:s21], $0x2800  }
0x66: {  	[sflag:s21] =	ssyncset.done $0x0  }
0x67: {  	[sflag:s21] =	ssyncadd.s32 $0xFFFFD800  }
0x68: {  	_ =	swait.ge [sflag:s21], $0x2800  }
0x69: {  	[sflag:s21] =	ssyncset.done $0x0  }
0x6a: {  	[sflag:s21] =	ssyncadd.s32 $0xFFFFD800  }
0x6b: {  	_ =	swait.ge [sflag:s21], $0x2800  }
0x6c: {  	[sflag:s21] =	ssyncset.done $0x0  }
0x6d: {  	[sflag:s21] =	ssyncadd.s32 $0xFFFFD800  }
0x6e: {  	_ =	swait.ge [sflag:s21], $0x2800  }
0x6f: {  	[sflag:s21] =	ssyncset.done $0x0  }
0x70: {  	[sflag:s21] =	ssyncadd.s32 $0xFFFFD800  }
0x71: {  	_ =	swait.ge [sflag:s21], $0x2800  }
0x72: {  	[sflag:s21] =	ssyncset.done $0x0  }
0x73: {  	[sflag:s21] =	ssyncadd.s32 $0xFFFFD800  }
0x74: {  	_ =	swait.ge [sflag:s21], $0x2800  }
0x75: {  	[sflag:s21] =	ssyncset.done $0x0  }
0x76: {  	s22 =	sadd.s32 $0x1, s22;
	[sflag:s21] =	ssyncadd.s32 $0xFFFFD800  }
0x77: {  	p0 =	sne.s32 s22, s15;
	_ =	swait.ge [sflag:s21], $0x2800  }
.Ltmp1:
0x78: {  	[sflag:s21] =	ssyncset.done $0x0;
	(pc) =	sbr.rel @p0 .LBB2_1-.Ltmp1, $4  }
0x79: {  	[sflag:s21] =	ssyncadd.s32 $0xFFFFD800  }
0x7a: {  	_ =	swait.ge [sflag:s21], $0x2800  }
0x7b: {  	[sflag:s21] =	ssyncset.done $0x0  }
0x7c: {  	[sflag:s21] =	ssyncadd.s32 $0xFFFFD800  }
0x7d: {  	_ =	sfence.sel $0x180000  }
0x7e: {  	[bflag:$0x0] =	sbarrier.arrive $0xFFFF  }
0x7f: {  	p0 =	sne.s32 s0, $0x0;
	_ =	strace $0x90000047  }
0x80: {  	s0 =	sadd.s32 @!p0 $0x100000, s1;
	[bflag:$0x2] =	sbarrier.arrive $0xFFFF  }
0x81: {  	[sflag:s0] =	ssyncadd.tile.s32 @!p0 $0x1;
	_ =	shalt  }
.Lfunc_end2:
_tile_overlayer_lowered:
.L_overlay_start_2:
0x82: {  	(tag) =	ssettag $0x2  }
0x83: {  	s0 =	rddreg [dreg:$0x0];
	s2 =	stileid.u32  }
0x84: {  	s1 =	rddreg [dreg:$0x1];
	p0 =	sne.s32 s2, $0x0  }
0x85: {  	s3 =	rddreg [dreg:$0x2];
	[bflag:$0x3] =	sbarrier.arrive $0xFFFF;
	s2 =	simm.s32 @!p0 $0x1C03  }
0x86: {  	[timem:s3], [sflag:s2] =	dma.local @!p0 [hbm:s0], s1  }
0x87: {  	s0 =	simm.s32 @!p0 $0x3  }
0x88: {  	_ =	swait.ge @!p0 [sflag:s0], s1  }
0x89: {  	s1 =	ssub.s32 @!p0 $0x0, s1;
	[sflag:s0] =	ssyncset.done @!p0 $0x0  }
0x8a: {  	[sflag:s0] =	ssyncadd.s32 @!p0 s1  }
0x8b: {  	[bflag:$0x3] =	sbarrier.arrive $0xFFFF  }
0x8c: {  	_ =	shalt  }

</sc_bundles>
